<compile_context>
chip_gen: v7x
topology: tpu7x:2x2x1
jax: 0.10.2.dev20260603
libtpu: 0.0.44.dev20260713+nightly
codegen_flags: <defaults>
</compile_context>

<pallas_src>
import jax
import jax.numpy as jnp
from jax import lax
from jax.experimental import pallas as pl
from jax.experimental.pallas import tpu as pltpu
from jax.experimental.pallas import tpu_sc as plsc

STATE = 2048
NP = 32768
HID = 128
KTOP = 64
BATCH = 32

NPB = 4096
NBLK = NP // NPB

LANES = 16
NV = NP // LANES
CAP = 2048


def _mlp_body(state_ref, w1_ref, b1_ref, w2_ref, b2_ref, out_ref, h_ref):
    @pl.when(pl.program_id(0) == 0)
    def _():
        h = jnp.dot(state_ref[...], w1_ref[...],
                    preferred_element_type=jnp.float32)
        h_ref[...] = jnp.maximum(h + b1_ref[...], 0.0)

    out_ref[...] = jnp.dot(h_ref[...], w2_ref[...],
                           preferred_element_type=jnp.float32) + b2_ref[...]


def _logits(state, W1, b1, W2, b2):
    return pl.pallas_call(
        _mlp_body,
        grid=(NBLK,),
        in_specs=[
            pl.BlockSpec((BATCH, STATE), lambda i: (0, 0)),
            pl.BlockSpec((STATE, HID), lambda i: (0, 0)),
            pl.BlockSpec((1, HID), lambda i: (0, 0)),
            pl.BlockSpec((HID, NPB), lambda i: (0, i)),
            pl.BlockSpec((1, NPB), lambda i: (0, i)),
        ],
        out_specs=pl.BlockSpec((BATCH, NPB), lambda i: (0, i)),
        out_shape=jax.ShapeDtypeStruct((BATCH, NP), jnp.float32),
        scratch_shapes=[pltpu.VMEM((BATCH, HID), jnp.float32)],
    )(state, W1, b1.reshape(1, HID), W2, b2.reshape(1, NP))


def _topk_body(logits_hbm, out_hbm, row_v, cand_val, cand_idx, out_v):
    c = lax.axis_index("c")
    s = lax.axis_index("s")
    row = s * 2 + c

    pltpu.sync_copy(logits_hbm.at[row], row_v)

    neg_inf = jnp.float32(-jnp.inf)
    ninf_vec = jnp.full((LANES,), neg_inf, jnp.float32)

    def p1_body(i, carry):
        t1, t2, t3, t4 = carry
        v = row_v[pl.ds(i * LANES, LANES)]
        s1 = jnp.maximum(t1, v)
        r1 = jnp.minimum(t1, v)
        s2 = jnp.maximum(t2, r1)
        r2 = jnp.minimum(t2, r1)
        s3 = jnp.maximum(t3, r2)
        r3 = jnp.minimum(t3, r2)
        s4 = jnp.maximum(t4, r3)
        return s1, s2, s3, s4

    _, _, _, t4 = lax.fori_loop(
        0, NV, p1_body, (ninf_vec, ninf_vec, ninf_vec, ninf_vec))
    thr = jnp.min(t4)

    def fill_body(j, u):
        cand_val[pl.ds(j * LANES, LANES)] = ninf_vec
        return u

    lax.fori_loop(0, (CAP + LANES) // LANES, fill_body, 0)

    iota = lax.iota(jnp.int32, LANES)

    def p2_body(i, off):
        v = row_v[pl.ds(i * LANES, LANES)]
        m = v >= thr
        idx = iota + i * LANES
        plsc.store_compressed(cand_val.at[pl.ds(off, LANES)], v, mask=m)
        plsc.store_compressed(cand_idx.at[pl.ds(off, LANES)], idx, mask=m)
        return jnp.minimum(off + jnp.sum(m.astype(jnp.int32)),
                           jnp.int32(CAP))

    cnt = lax.fori_loop(0, NV, p2_body, jnp.int32(0))
    nvc = (cnt + LANES - 1) // LANES

    def sel_cond(carry):
        _, remaining, _, _ = carry
        return remaining > 0

    def sel_body(carry):
        thresh, remaining, v_star, n_eq = carry

        def mx_body(j, acc):
            v = cand_val[pl.ds(j * LANES, LANES)]
            return jnp.maximum(acc, jnp.where(v < thresh, v, neg_inf))

        m = jnp.max(lax.fori_loop(0, nvc, mx_body, ninf_vec))

        def ct_body(j, acc):
            v = cand_val[pl.ds(j * LANES, LANES)]
            return acc + jnp.sum((v == m).astype(jnp.int32))

        c_eq = lax.fori_loop(0, nvc, ct_body, jnp.int32(0))
        takes_all = c_eq < remaining
        new_rem = jnp.where(takes_all, remaining - c_eq, jnp.int32(0))
        v_star = jnp.where(takes_all, v_star, m)
        n_eq = jnp.where(takes_all, n_eq, remaining)
        return m, new_rem, v_star, n_eq

    _, _, v_star, n_eq = lax.while_loop(
        sel_cond, sel_body,
        (jnp.float32(jnp.inf), jnp.int32(KTOP),
         jnp.float32(jnp.inf), jnp.int32(0)))

    def fin_body(j, carry):
        off, eqs = carry
        v = cand_val[pl.ds(j * LANES, LANES)]
        idx = cand_idx[pl.ds(j * LANES, LANES)]
        gt = v > v_star
        eq = v == v_star
        pref = plsc.cumsum(eq.astype(jnp.int32)) + eqs
        take = gt | (eq & (pref <= n_eq))
        plsc.store_compressed(out_v.at[pl.ds(off, LANES)], idx, mask=take)
        return (off + jnp.sum(take.astype(jnp.int32)),
                eqs + jnp.sum(eq.astype(jnp.int32)))

    lax.fori_loop(0, nvc, fin_body, (jnp.int32(0), jnp.int32(0)))

    pltpu.sync_copy(out_v.at[pl.ds(0, KTOP)], out_hbm.at[pl.ds(row * KTOP, KTOP)])


def _topk(logits):
    mesh = plsc.VectorSubcoreMesh(core_axis_name="c", subcore_axis_name="s",
                                  num_cores=2, num_subcores=16)
    return pl.kernel(
        _topk_body,
        out_type=jax.ShapeDtypeStruct((BATCH * KTOP,), jnp.int32),
        mesh=mesh,
        scratch_types=[
            pltpu.VMEM((NP,), jnp.float32),
            pltpu.VMEM((CAP + LANES,), jnp.float32),
            pltpu.VMEM((CAP + LANES,), jnp.int32),
            pltpu.VMEM((KTOP + LANES,), jnp.int32),
        ],
        compiler_params=pltpu.CompilerParams(needs_layout_passes=False),
    )(logits)


def kernel(state, W1, b1, W2, b2):
    logits = _logits(state, W1, b1, W2, b2)
    indices = _topk(logits).reshape(BATCH, KTOP)
    return logits, indices

# --- scband reference (transcript-rebuilt; emitter-appended) ---
"""Pipeline reference for scband-patch-attention-38319698215403 (READ-ONLY COPY).

The authoritative reference and input builder live on the scoring server;
editing this copy changes nothing except your own understanding.
"""

import jax, jax.numpy as jnp
import numpy as np

STATE_SIZE = 2048
NUM_PATCHES = 32768
HIDDEN = 128
K = 64
B = 32


def setup_inputs(seed: int = 0) -> dict:
    key = jax.random.key(seed)
    k1, k2, k3 = jax.random.split(key, 3)
    state = jax.random.normal(k1, (B, STATE_SIZE), dtype=jnp.float32)
    # LinearBlock(state_size, num_patches, hidden=[128], activation='relu')
    # == Linear(state_size,128) -> ReLU -> Linear(128,num_patches)
    W1 = jax.random.normal(k2, (STATE_SIZE, HIDDEN), dtype=jnp.float32) * (1.0 / np.sqrt(STATE_SIZE))
    b1 = jnp.zeros((HIDDEN,), dtype=jnp.float32)
    W2 = jax.random.normal(k3, (HIDDEN, NUM_PATCHES), dtype=jnp.float32) * (1.0 / np.sqrt(HIDDEN))
    b2 = jnp.zeros((NUM_PATCHES,), dtype=jnp.float32)
    return {"state": state, "W1": W1, "b1": b1, "W2": W2, "b2": b2}


def reference(state, W1, b1, W2, b2):
    h = jax.nn.relu(state @ W1 + b1)
    logits = h @ W2 + b2
    _, indices = jax.lax.top_k(logits, K)
    indices = jnp.sort(indices, axis=1)
    return (logits, indices)

if __name__ == "__main__":
    import jax
    _d = setup_inputs()
    print(jax.jit(kernel)(*tuple(_d.values())))

</pallas_src>

<mosaic_0001>
#map = affine_map<(d0, d1) -> (0, 0)>
#map1 = affine_map<(d0, d1) -> (0)>
module attributes {stable_mosaic.version = 14 : i64} {
  func.func @_topk_body(%arg0: i32, %arg1: i32, %arg2: memref<32x32768xf32, #tpu.memory_space<hbm>>, %arg3: memref<2048xi32, #tpu.memory_space<hbm>>, %arg4: memref<32768xf32, #tpu.memory_space<vmem>>, %arg5: memref<2064xf32, #tpu.memory_space<vmem>>, %arg6: memref<2064xi32, #tpu.memory_space<vmem>>, %arg7: memref<80xi32, #tpu.memory_space<vmem>>) attributes {dimension_semantics = [#tpu.dimension_semantics<core_parallel>, #tpu.dimension_semantics<subcore_parallel>], iteration_bounds = array<i64: 2, 16>, scalar_prefetch = 0 : i64, scratch_operands = 4 : i64, tpu.core_type = #tpu.core_type<sc_vector_subcore>, window_params = [{transform_indices = #map}, {transform_indices = #map1}]} {
    %mul3A = arith.constant 2 : i32
    %mul3A_0 = arith.muli %arg1, %mul3A : i32
    %add3A = arith.addi %mul3A_0, %arg0 : i32
    "tpu.region"() ({
      %run_scoped3A = tpu.sem_alloc : memref<!tpu.dma_semaphore, #tpu.memory_space<semaphore_mem>>
      %dma_start3A = arith.constant 0 : i32
      %dma_start3A_63 = tpu.memref_slice %arg2[%add3A, %dma_start3A] : memref<32x32768xf32, #tpu.memory_space<hbm>> -> memref<1x32768xf32, #tpu.memory_space<hbm>>
      %dma_start3A_64 = tpu.memref_squeeze %dma_start3A_63 : memref<1x32768xf32, #tpu.memory_space<hbm>> -> memref<32768xf32, #tpu.memory_space<hbm>>
      %dma_start3A_65 = arith.constant 0 : i32
      %dma_start3A_66 = tpu.memref_slice %arg2[%add3A, %dma_start3A_65] : memref<32x32768xf32, #tpu.memory_space<hbm>> -> memref<1x32768xf32, #tpu.memory_space<hbm>>
      %dma_start3A_67 = tpu.memref_squeeze %dma_start3A_66 : memref<1x32768xf32, #tpu.memory_space<hbm>> -> memref<32768xf32, #tpu.memory_space<hbm>>
      tpu.enqueue_dma source(%dma_start3A_67 : memref<32768xf32, #tpu.memory_space<hbm>>) target(%arg4 : memref<32768xf32, #tpu.memory_space<vmem>>) target_semaphore(%run_scoped3A : memref<!tpu.dma_semaphore, #tpu.memory_space<semaphore_mem>>)
      %dma_wait3A = arith.constant 0 : i32
      %dma_wait3A_68 = tpu.memref_slice %arg2[%add3A, %dma_wait3A] : memref<32x32768xf32, #tpu.memory_space<hbm>> -> memref<1x32768xf32, #tpu.memory_space<hbm>>
      %dma_wait3A_69 = tpu.memref_squeeze %dma_wait3A_68 : memref<1x32768xf32, #tpu.memory_space<hbm>> -> memref<32768xf32, #tpu.memory_space<hbm>>
      %dma_wait3A_70 = arith.constant 0 : i32
      %dma_wait3A_71 = tpu.memref_slice %arg2[%add3A, %dma_wait3A_70] : memref<32x32768xf32, #tpu.memory_space<hbm>> -> memref<1x32768xf32, #tpu.memory_space<hbm>>
      %dma_wait3A_72 = tpu.memref_squeeze %dma_wait3A_71 : memref<1x32768xf32, #tpu.memory_space<hbm>> -> memref<32768xf32, #tpu.memory_space<hbm>>
      tpu.wait_dma2 semaphore(%run_scoped3A : memref<!tpu.dma_semaphore, #tpu.memory_space<semaphore_mem>>) src(%dma_wait3A_72 : memref<32768xf32, #tpu.memory_space<hbm>>) dst(%arg4 : memref<32768xf32, #tpu.memory_space<vmem>>)
      tpu.yield
    }) : () -> ()
    %broadcast_in_dim3A = arith.constant 0xFF800000 : f32
    %broadcast_in_dim3A_1 = vector.broadcast %broadcast_in_dim3A : f32 to vector<16xf32>
    %scan3A = arith.constant 0 : i32
    %scan3A_2 = arith.constant 2048 : i32
    %scan3A_3 = arith.addi %scan3A, %scan3A_2 : i32
    %scan3A_4 = arith.constant 1 : i32
    %scan3A_5:4 = scf.for %scan3A_63 = %scan3A to %scan3A_3 step %scan3A_4 iter_args(%scan3A_64 = %broadcast_in_dim3A_1, %scan3A_65 = %broadcast_in_dim3A_1, %scan3A_66 = %broadcast_in_dim3A_1, %scan3A_67 = %broadcast_in_dim3A_1) -> (vector<16xf32>, vector<16xf32>, vector<16xf32>, vector<16xf32>)  : i32 {
      %mul3A_68 = arith.constant 16 : i32
      %mul3A_69 = arith.muli %scan3A_63, %mul3A_68 : i32
      %get3A = arith.index_cast %mul3A_69 : i32 to index
      %get3A_70 = tpu.vector_load %arg4[%get3A] {strides = array<i32>} : memref<32768xf32, #tpu.memory_space<vmem>>, vector<16xf32>,
      %max3A = arith.maximumf %scan3A_64, %get3A_70 : vector<16xf32>
      %min3A = arith.minimumf %scan3A_64, %get3A_70 : vector<16xf32>
      %max3A_71 = arith.maximumf %scan3A_65, %min3A : vector<16xf32>
      %min3A_72 = arith.minimumf %scan3A_65, %min3A : vector<16xf32>
      %max3A_73 = arith.maximumf %scan3A_66, %min3A_72 : vector<16xf32>
      %min3A_74 = arith.minimumf %scan3A_66, %min3A_72 : vector<16xf32>
      %max3A_75 = arith.maximumf %scan3A_67, %min3A_74 : vector<16xf32>
      scf.yield %max3A, %max3A_71, %max3A_73, %max3A_75 : vector<16xf32>, vector<16xf32>, vector<16xf32>, vector<16xf32>
    }
    %scan3A_6 = arith.constant 2048 : i32
    %reduce_min3A = arith.constant true
    %reduce_min3A_7 = vector.broadcast %reduce_min3A : i1 to vector<16xi1>
    %reduce_min3A_8 = tpu.scan <min>, %scan3A_5#3 masked %reduce_min3A_7 : vector<16xf32>, vector<16xi1> -> vector<16xf32>
    %reduce_min3A_9 = vector.extract %reduce_min3A_8[15] : f32 from vector<16xf32>
    %scan3A_10 = arith.constant 0 : i32
    %scan3A_11 = arith.constant 0 : i32
    %scan3A_12 = arith.constant 129 : i32
    %scan3A_13 = arith.addi %scan3A_11, %scan3A_12 : i32
    %scan3A_14 = arith.constant 1 : i32
    scf.for %scan3A_63 = %scan3A_11 to %scan3A_13 step %scan3A_14  : i32 {
      %mul3A_64 = arith.constant 16 : i32
      %mul3A_65 = arith.muli %scan3A_63, %mul3A_64 : i32
      %swap3A = arith.index_cast %mul3A_65 : i32 to index
      %swap3A_66 = tpu.vector_load %arg5[%swap3A] {strides = array<i32>} : memref<2064xf32, #tpu.memory_space<vmem>>, vector<16xf32>,
      tpu.vector_store %arg5[%swap3A], %broadcast_in_dim3A_1 {strides = array<i32>} : memref<2064xf32, #tpu.memory_space<vmem>>, vector<16xf32>,
    }
    %scan3A_15 = arith.constant 129 : i32
    %iota3A = tpu.iota {dimensions = array<i32: 0>} : vector<16xi32>
    %scan3A_16 = arith.constant 0 : i32
    %scan3A_17 = arith.constant 0 : i32
    %scan3A_18 = arith.constant 2048 : i32
    %scan3A_19 = arith.addi %scan3A_17, %scan3A_18 : i32
    %scan3A_20 = arith.constant 1 : i32
    %scan3A_21 = scf.for %scan3A_63 = %scan3A_17 to %scan3A_19 step %scan3A_20 iter_args(%scan3A_64 = %scan3A_16) -> (i32)  : i32 {
      %mul3A_65 = arith.constant 16 : i32
      %mul3A_66 = arith.muli %scan3A_63, %mul3A_65 : i32
      %get3A = arith.index_cast %mul3A_66 : i32 to index
      %get3A_67 = tpu.vector_load %arg4[%get3A] {strides = array<i32>} : memref<32768xf32, #tpu.memory_space<vmem>>, vector<16xf32>,
      %ge3A = vector.broadcast %reduce_min3A_9 : f32 to vector<16xf32>
      %ge3A_68 = arith.cmpf oge, %get3A_67, %ge3A : vector<16xf32>
      %mul3A_69 = arith.constant 16 : i32
      %mul3A_70 = arith.muli %scan3A_63, %mul3A_69 : i32
      %add3A_71 = vector.broadcast %mul3A_70 : i32 to vector<16xi32>
      %add3A_72 = arith.addi %iota3A, %add3A_71 : vector<16xi32>
      %swap3A = arith.index_cast %scan3A_64 : i32 to index
      %swap3A_73 = tpu.vector_load %arg5[%swap3A] masked %ge3A_68 {strides = array<i32>} : memref<2064xf32, #tpu.memory_space<vmem>>, vector<16xf32>, vector<16xi1>
      tpu.vector_store %arg5[%swap3A], %get3A_67 masked %ge3A_68 {strides = array<i32>} : memref<2064xf32, #tpu.memory_space<vmem>>, vector<16xf32>, vector<16xi1>
      %swap3A_74 = arith.index_cast %scan3A_64 : i32 to index
      %swap3A_75 = tpu.vector_load %arg6[%swap3A_74] masked %ge3A_68 {strides = array<i32>} : memref<2064xi32, #tpu.memory_space<vmem>>, vector<16xi32>, vector<16xi1>
      tpu.vector_store %arg6[%swap3A_74], %add3A_72 masked %ge3A_68 {strides = array<i32>} : memref<2064xi32, #tpu.memory_space<vmem>>, vector<16xi32>, vector<16xi1>
      %convert_element_type3A = arith.extui %ge3A_68 : vector<16xi1> to vector<16xi32>
      %reduce_sum3A = arith.constant true
      %reduce_sum3A_76 = vector.broadcast %reduce_sum3A : i1 to vector<16xi1>
      %reduce_sum3A_77 = tpu.scan <sum>, %convert_element_type3A masked %reduce_sum3A_76 : vector<16xi32>, vector<16xi1> -> vector<16xi32>
      %reduce_sum3A_78 = vector.extract %reduce_sum3A_77[15] : i32 from vector<16xi32>
      %add3A_79 = arith.addi %scan3A_64, %reduce_sum3A_78 : i32
      %min3A = arith.constant 2048 : i32
      %min3A_80 = arith.minsi %add3A_79, %min3A : i32
      scf.yield %min3A_80 : i32
    }
    %scan3A_22 = arith.constant 2048 : i32
    %add3A_23 = arith.constant 16 : i32
    %add3A_24 = arith.addi %scan3A_21, %add3A_23 : i32
    %sub3A = arith.constant 1 : i32
    %sub3A_25 = arith.subi %add3A_24, %sub3A : i32
    %jit3A = arith.constant 16 : i32
    %div3A = arith.divsi %sub3A_25, %jit3A : i32
    %sign3A = arith.constant 0 : i32
    %sign3A_26 = arith.cmpi sgt, %sub3A_25, %sign3A : i32
    %sign3A_27 = arith.extui %sign3A_26 : i1 to i32
    %sign3A_28 = arith.constant 0 : i32
    %sign3A_29 = arith.cmpi slt, %sub3A_25, %sign3A_28 : i32
    %sign3A_30 = arith.extui %sign3A_29 : i1 to i32
    %sign3A_31 = arith.subi %sign3A_27, %sign3A_30 : i32
    %sign3A_32 = arith.constant 0 : i32
    %sign3A_33 = arith.cmpi sgt, %jit3A, %sign3A_32 : i32
    %sign3A_34 = arith.extui %sign3A_33 : i1 to i32
    %sign3A_35 = arith.constant 0 : i32
    %sign3A_36 = arith.cmpi slt, %jit3A, %sign3A_35 : i32
    %sign3A_37 = arith.extui %sign3A_36 : i1 to i32
    %sign3A_38 = arith.subi %sign3A_34, %sign3A_37 : i32
    %ne3A = arith.cmpi ne, %sign3A_31, %sign3A_38 : i32
    %rem3A = arith.remsi %sub3A_25, %jit3A : i32
    %ne3A_39 = arith.constant 0 : i32
    %ne3A_40 = arith.cmpi ne, %rem3A, %ne3A_39 : i32
    %and3A = arith.andi %ne3A, %ne3A_40 : i1
    %sub3A_41 = arith.constant 1 : i32
    %sub3A_42 = arith.subi %div3A, %sub3A_41 : i32
    %select_n3A = arith.select %and3A, %sub3A_42, %div3A : i32
    %while3A = arith.constant 0xFF800000 : f32
    %while3A_43 = arith.constant 0x7F800000 : f32
    %while3A_44 = arith.constant 64 : i32
    %while3A_45 = arith.constant 0x7F800000 : f32
    %while3A_46 = arith.constant 0 : i32
    %while3A_47:4 = scf.while (%while3A_63 = %while3A_43, %while3A_64 = %while3A_44, %while3A_65 = %while3A_45, %while3A_66 = %while3A_46) : (f32, i32, f32, i32) -> (f32, i32, f32, i32) {
      %gt3A = arith.constant 0 : i32
      %gt3A_67 = arith.cmpi sgt, %while3A_64, %gt3A : i32
      scf.condition(%gt3A_67) %while3A_63, %while3A_64, %while3A_65, %while3A_66 : f32, i32, f32, i32
    } do {
    ^bb0(%while3A_63: f32, %while3A_64: i32, %while3A_65: f32, %while3A_66: i32):
      %while3A_67 = arith.constant 0 : i32
      %while3A_68 = arith.subi %select_n3A, %while3A_67 : i32
      %while3A_69 = arith.addi %while3A_67, %while3A_68 : i32
      %while3A_70 = arith.constant 1 : i32
      %while3A_71 = arith.divsi %while3A_68, %while3A_70 : i32
      %while3A_72 = arith.muli %while3A_71, %while3A_70 : i32
      %while3A_73 = arith.addi %while3A_67, %while3A_72 : i32
      %while3A_74 = arith.constant 1 : i32
      %while3A_75 = scf.for %while3A_98 = %while3A_67 to %while3A_73 step %while3A_74 iter_args(%while3A_99 = %broadcast_in_dim3A_1) -> (vector<16xf32>)  : i32 {
        %mul3A_100 = arith.constant 16 : i32
        %mul3A_101 = arith.muli %while3A_98, %mul3A_100 : i32
        %get3A = arith.index_cast %mul3A_101 : i32 to index
        %get3A_102 = tpu.vector_load %arg5[%get3A] {strides = array<i32>} : memref<2064xf32, #tpu.memory_space<vmem>>, vector<16xf32>,
        %lt3A_103 = vector.broadcast %while3A_63 : f32 to vector<16xf32>
        %lt3A_104 = arith.cmpf olt, %get3A_102, %lt3A_103 : vector<16xf32>
        %broadcast_in_dim3A_105 = vector.broadcast %while3A : f32 to vector<16xf32>
        %select_n3A_106 = arith.select %lt3A_104, %get3A_102, %broadcast_in_dim3A_105 : vector<16xi1>, vector<16xf32>
        %max3A = arith.maximumf %while3A_99, %select_n3A_106 : vector<16xf32>
        scf.yield %max3A : vector<16xf32>
      }
      %while3A_76 = arith.constant 1 : i32
      %while3A_77 = scf.for %while3A_98 = %while3A_73 to %while3A_69 step %while3A_76 iter_args(%while3A_99 = %while3A_75) -> (vector<16xf32>)  : i32 {
        %mul3A_100 = arith.constant 16 : i32
        %mul3A_101 = arith.muli %while3A_98, %mul3A_100 : i32
        %get3A = arith.index_cast %mul3A_101 : i32 to index
        %get3A_102 = tpu.vector_load %arg5[%get3A] {strides = array<i32>} : memref<2064xf32, #tpu.memory_space<vmem>>, vector<16xf32>,
        %lt3A_103 = vector.broadcast %while3A_63 : f32 to vector<16xf32>
        %lt3A_104 = arith.cmpf olt, %get3A_102, %lt3A_103 : vector<16xf32>
        %broadcast_in_dim3A_105 = vector.broadcast %while3A : f32 to vector<16xf32>
        %select_n3A_106 = arith.select %lt3A_104, %get3A_102, %broadcast_in_dim3A_105 : vector<16xi1>, vector<16xf32>
        %max3A = arith.maximumf %while3A_99, %select_n3A_106 : vector<16xf32>
        scf.yield %max3A : vector<16xf32>
      }
      %reduce_max3A = arith.constant true
      %reduce_max3A_78 = vector.broadcast %reduce_max3A : i1 to vector<16xi1>
      %reduce_max3A_79 = tpu.scan <max>, %while3A_77 masked %reduce_max3A_78 : vector<16xf32>, vector<16xi1> -> vector<16xf32>
      %reduce_max3A_80 = vector.extract %reduce_max3A_79[15] : f32 from vector<16xf32>
      %while3A_81 = arith.constant 0 : i32
      %while3A_82 = arith.constant 0 : i32
      %while3A_83 = arith.subi %select_n3A, %while3A_81 : i32
      %while3A_84 = arith.addi %while3A_81, %while3A_83 : i32
      %while3A_85 = arith.constant 1 : i32
      %while3A_86 = arith.divsi %while3A_83, %while3A_85 : i32
      %while3A_87 = arith.muli %while3A_86, %while3A_85 : i32
      %while3A_88 = arith.addi %while3A_81, %while3A_87 : i32
      %while3A_89 = arith.constant 1 : i32
      %while3A_90 = scf.for %while3A_98 = %while3A_81 to %while3A_88 step %while3A_89 iter_args(%while3A_99 = %while3A_82) -> (i32)  : i32 {
        %mul3A_100 = arith.constant 16 : i32
        %mul3A_101 = arith.muli %while3A_98, %mul3A_100 : i32
        %get3A = arith.index_cast %mul3A_101 : i32 to index
        %get3A_102 = tpu.vector_load %arg5[%get3A] {strides = array<i32>} : memref<2064xf32, #tpu.memory_space<vmem>>, vector<16xf32>,
        %eq3A = vector.broadcast %reduce_max3A_80 : f32 to vector<16xf32>
        %eq3A_103 = arith.cmpf oeq, %get3A_102, %eq3A : vector<16xf32>
        %convert_element_type3A = arith.extui %eq3A_103 : vector<16xi1> to vector<16xi32>
        %reduce_sum3A = arith.constant true
        %reduce_sum3A_104 = vector.broadcast %reduce_sum3A : i1 to vector<16xi1>
        %reduce_sum3A_105 = tpu.scan <sum>, %convert_element_type3A masked %reduce_sum3A_104 : vector<16xi32>, vector<16xi1> -> vector<16xi32>
        %reduce_sum3A_106 = vector.extract %reduce_sum3A_105[15] : i32 from vector<16xi32>
        %add3A_107 = arith.addi %while3A_99, %reduce_sum3A_106 : i32
        scf.yield %add3A_107 : i32
      }
      %while3A_91 = arith.constant 1 : i32
      %while3A_92 = scf.for %while3A_98 = %while3A_88 to %while3A_84 step %while3A_91 iter_args(%while3A_99 = %while3A_90) -> (i32)  : i32 {
        %mul3A_100 = arith.constant 16 : i32
        %mul3A_101 = arith.muli %while3A_98, %mul3A_100 : i32
        %get3A = arith.index_cast %mul3A_101 : i32 to index
        %get3A_102 = tpu.vector_load %arg5[%get3A] {strides = array<i32>} : memref<2064xf32, #tpu.memory_space<vmem>>, vector<16xf32>,
        %eq3A = vector.broadcast %reduce_max3A_80 : f32 to vector<16xf32>
        %eq3A_103 = arith.cmpf oeq, %get3A_102, %eq3A : vector<16xf32>
        %convert_element_type3A = arith.extui %eq3A_103 : vector<16xi1> to vector<16xi32>
        %reduce_sum3A = arith.constant true
        %reduce_sum3A_104 = vector.broadcast %reduce_sum3A : i1 to vector<16xi1>
        %reduce_sum3A_105 = tpu.scan <sum>, %convert_element_type3A masked %reduce_sum3A_104 : vector<16xi32>, vector<16xi1> -> vector<16xi32>
        %reduce_sum3A_106 = vector.extract %reduce_sum3A_105[15] : i32 from vector<16xi32>
        %add3A_107 = arith.addi %while3A_99, %reduce_sum3A_106 : i32
        scf.yield %add3A_107 : i32
      }
      %lt3A = arith.cmpi slt, %while3A_92, %while3A_64 : i32
      %sub3A_93 = arith.subi %while3A_64, %while3A_92 : i32
      %jit3A_94 = arith.constant 0 : i32
      %select_n3A_95 = arith.select %lt3A, %sub3A_93, %jit3A_94 : i32
      %select_n3A_96 = arith.select %lt3A, %while3A_65, %reduce_max3A_80 : f32
      %select_n3A_97 = arith.select %lt3A, %while3A_66, %while3A_64 : i32
      scf.yield %reduce_max3A_80, %select_n3A_95, %select_n3A_96, %select_n3A_97 : f32, i32, f32, i32
    }
    %while3A_48 = arith.constant 0 : i32
    %while3A_49 = arith.constant 0 : i32
    %while3A_50 = arith.constant 0 : i32
    %while3A_51 = arith.subi %select_n3A, %while3A_48 : i32
    %while3A_52 = arith.addi %while3A_48, %while3A_51 : i32
    %while3A_53 = arith.constant 1 : i32
    %while3A_54 = arith.divsi %while3A_51, %while3A_53 : i32
    %while3A_55 = arith.muli %while3A_54, %while3A_53 : i32
    %while3A_56 = arith.addi %while3A_48, %while3A_55 : i32
    %while3A_57 = arith.constant 1 : i32
    %while3A_58:2 = scf.for %while3A_63 = %while3A_48 to %while3A_56 step %while3A_57 iter_args(%while3A_64 = %while3A_49, %while3A_65 = %while3A_50) -> (i32, i32)  : i32 {
      %mul3A_66 = arith.constant 16 : i32
      %mul3A_67 = arith.muli %while3A_63, %mul3A_66 : i32
      %get3A = arith.index_cast %mul3A_67 : i32 to index
      %get3A_68 = tpu.vector_load %arg5[%get3A] {strides = array<i32>} : memref<2064xf32, #tpu.memory_space<vmem>>, vector<16xf32>,
      %mul3A_69 = arith.constant 16 : i32
      %mul3A_70 = arith.muli %while3A_63, %mul3A_69 : i32
      %get3A_71 = arith.index_cast %mul3A_70 : i32 to index
      %get3A_72 = tpu.vector_load %arg6[%get3A_71] {strides = array<i32>} : memref<2064xi32, #tpu.memory_space<vmem>>, vector<16xi32>,
      %gt3A = vector.broadcast %while3A_47#2 : f32 to vector<16xf32>
      %gt3A_73 = arith.cmpf ogt, %get3A_68, %gt3A : vector<16xf32>
      %eq3A = vector.broadcast %while3A_47#2 : f32 to vector<16xf32>
      %eq3A_74 = arith.cmpf oeq, %get3A_68, %eq3A : vector<16xf32>
      %convert_element_type3A = arith.extui %eq3A_74 : vector<16xi1> to vector<16xi32>
      %broadcast_in_dim3A_75 = arith.constant true
      %broadcast_in_dim3A_76 = vector.broadcast %broadcast_in_dim3A_75 : i1 to vector<16xi1>
      %masked_cumsum3A = tpu.scan <sum>, %convert_element_type3A masked %broadcast_in_dim3A_76 : vector<16xi32>, vector<16xi1> -> vector<16xi32>
      %add3A_77 = vector.broadcast %while3A_65 : i32 to vector<16xi32>
      %add3A_78 = arith.addi %masked_cumsum3A, %add3A_77 : vector<16xi32>
      %le3A = vector.broadcast %while3A_47#3 : i32 to vector<16xi32>
      %le3A_79 = arith.cmpi sle, %add3A_78, %le3A : vector<16xi32>
      %and3A_80 = arith.andi %eq3A_74, %le3A_79 : vector<16xi1>
      %or3A = arith.ori %gt3A_73, %and3A_80 : vector<16xi1>
      %swap3A = arith.index_cast %while3A_64 : i32 to index
      %swap3A_81 = tpu.vector_load %arg7[%swap3A] masked %or3A {strides = array<i32>} : memref<80xi32, #tpu.memory_space<vmem>>, vector<16xi32>, vector<16xi1>
      tpu.vector_store %arg7[%swap3A], %get3A_72 masked %or3A {strides = array<i32>} : memref<80xi32, #tpu.memory_space<vmem>>, vector<16xi32>, vector<16xi1>
      %convert_element_type3A_82 = arith.extui %or3A : vector<16xi1> to vector<16xi32>
      %reduce_sum3A = arith.constant true
      %reduce_sum3A_83 = vector.broadcast %reduce_sum3A : i1 to vector<16xi1>
      %reduce_sum3A_84 = tpu.scan <sum>, %convert_element_type3A_82 masked %reduce_sum3A_83 : vector<16xi32>, vector<16xi1> -> vector<16xi32>
      %reduce_sum3A_85 = vector.extract %reduce_sum3A_84[15] : i32 from vector<16xi32>
      %add3A_86 = arith.addi %while3A_64, %reduce_sum3A_85 : i32
      %convert_element_type3A_87 = arith.extui %eq3A_74 : vector<16xi1> to vector<16xi32>
      %reduce_sum3A_88 = arith.constant true
      %reduce_sum3A_89 = vector.broadcast %reduce_sum3A_88 : i1 to vector<16xi1>
      %reduce_sum3A_90 = tpu.scan <sum>, %convert_element_type3A_87 masked %reduce_sum3A_89 : vector<16xi32>, vector<16xi1> -> vector<16xi32>
      %reduce_sum3A_91 = vector.extract %reduce_sum3A_90[15] : i32 from vector<16xi32>
      %add3A_92 = arith.addi %while3A_65, %reduce_sum3A_91 : i32
      scf.yield %add3A_86, %add3A_92 : i32, i32
    }
    %while3A_59 = arith.constant 1 : i32
    %while3A_60:2 = scf.for %while3A_63 = %while3A_56 to %while3A_52 step %while3A_59 iter_args(%while3A_64 = %while3A_58#0, %while3A_65 = %while3A_58#1) -> (i32, i32)  : i32 {
      %mul3A_66 = arith.constant 16 : i32
      %mul3A_67 = arith.muli %while3A_63, %mul3A_66 : i32
      %get3A = arith.index_cast %mul3A_67 : i32 to index
      %get3A_68 = tpu.vector_load %arg5[%get3A] {strides = array<i32>} : memref<2064xf32, #tpu.memory_space<vmem>>, vector<16xf32>,
      %mul3A_69 = arith.constant 16 : i32
      %mul3A_70 = arith.muli %while3A_63, %mul3A_69 : i32
      %get3A_71 = arith.index_cast %mul3A_70 : i32 to index
      %get3A_72 = tpu.vector_load %arg6[%get3A_71] {strides = array<i32>} : memref<2064xi32, #tpu.memory_space<vmem>>, vector<16xi32>,
      %gt3A = vector.broadcast %while3A_47#2 : f32 to vector<16xf32>
      %gt3A_73 = arith.cmpf ogt, %get3A_68, %gt3A : vector<16xf32>
      %eq3A = vector.broadcast %while3A_47#2 : f32 to vector<16xf32>
      %eq3A_74 = arith.cmpf oeq, %get3A_68, %eq3A : vector<16xf32>
      %convert_element_type3A = arith.extui %eq3A_74 : vector<16xi1> to vector<16xi32>
      %broadcast_in_dim3A_75 = arith.constant true
      %broadcast_in_dim3A_76 = vector.broadcast %broadcast_in_dim3A_75 : i1 to vector<16xi1>
      %masked_cumsum3A = tpu.scan <sum>, %convert_element_type3A masked %broadcast_in_dim3A_76 : vector<16xi32>, vector<16xi1> -> vector<16xi32>
      %add3A_77 = vector.broadcast %while3A_65 : i32 to vector<16xi32>
      %add3A_78 = arith.addi %masked_cumsum3A, %add3A_77 : vector<16xi32>
      %le3A = vector.broadcast %while3A_47#3 : i32 to vector<16xi32>
      %le3A_79 = arith.cmpi sle, %add3A_78, %le3A : vector<16xi32>
      %and3A_80 = arith.andi %eq3A_74, %le3A_79 : vector<16xi1>
      %or3A = arith.ori %gt3A_73, %and3A_80 : vector<16xi1>
      %swap3A = arith.index_cast %while3A_64 : i32 to index
      %swap3A_81 = tpu.vector_load %arg7[%swap3A] masked %or3A {strides = array<i32>} : memref<80xi32, #tpu.memory_space<vmem>>, vector<16xi32>, vector<16xi1>
      tpu.vector_store %arg7[%swap3A], %get3A_72 masked %or3A {strides = array<i32>} : memref<80xi32, #tpu.memory_space<vmem>>, vector<16xi32>, vector<16xi1>
      %convert_element_type3A_82 = arith.extui %or3A : vector<16xi1> to vector<16xi32>
      %reduce_sum3A = arith.constant true
      %reduce_sum3A_83 = vector.broadcast %reduce_sum3A : i1 to vector<16xi1>
      %reduce_sum3A_84 = tpu.scan <sum>, %convert_element_type3A_82 masked %reduce_sum3A_83 : vector<16xi32>, vector<16xi1> -> vector<16xi32>
      %reduce_sum3A_85 = vector.extract %reduce_sum3A_84[15] : i32 from vector<16xi32>
      %add3A_86 = arith.addi %while3A_64, %reduce_sum3A_85 : i32
      %convert_element_type3A_87 = arith.extui %eq3A_74 : vector<16xi1> to vector<16xi32>
      %reduce_sum3A_88 = arith.constant true
      %reduce_sum3A_89 = vector.broadcast %reduce_sum3A_88 : i1 to vector<16xi1>
      %reduce_sum3A_90 = tpu.scan <sum>, %convert_element_type3A_87 masked %reduce_sum3A_89 : vector<16xi32>, vector<16xi1> -> vector<16xi32>
      %reduce_sum3A_91 = vector.extract %reduce_sum3A_90[15] : i32 from vector<16xi32>
      %add3A_92 = arith.addi %while3A_65, %reduce_sum3A_91 : i32
      scf.yield %add3A_86, %add3A_92 : i32, i32
    }
    %mul3A_61 = arith.constant 64 : i32
    %mul3A_62 = arith.muli %add3A, %mul3A_61 : i32
    "tpu.region"() ({
      %run_scoped3A = tpu.sem_alloc : memref<!tpu.dma_semaphore, #tpu.memory_space<semaphore_mem>>
      %dma_start3A = arith.constant 0 : i32
      %dma_start3A_63 = tpu.memref_slice %arg7[%dma_start3A] : memref<80xi32, #tpu.memory_space<vmem>> -> memref<64xi32, #tpu.memory_space<vmem>>
      %dma_start3A_64 = tpu.memref_slice %arg3[%mul3A_62] : memref<2048xi32, #tpu.memory_space<hbm>> -> memref<64xi32, #tpu.memory_space<hbm>>
      %dma_start3A_65 = tpu.memref_slice %arg3[%mul3A_62] : memref<2048xi32, #tpu.memory_space<hbm>> -> memref<64xi32, #tpu.memory_space<hbm>>
      %dma_start3A_66 = arith.constant 0 : i32
      %dma_start3A_67 = tpu.memref_slice %arg7[%dma_start3A_66] : memref<80xi32, #tpu.memory_space<vmem>> -> memref<64xi32, #tpu.memory_space<vmem>>
      tpu.enqueue_dma source(%dma_start3A_67 : memref<64xi32, #tpu.memory_space<vmem>>) target(%dma_start3A_65 : memref<64xi32, #tpu.memory_space<hbm>>) target_semaphore(%run_scoped3A : memref<!tpu.dma_semaphore, #tpu.memory_space<semaphore_mem>>)
      %dma_wait3A = arith.constant 0 : i32
      %dma_wait3A_68 = tpu.memref_slice %arg7[%dma_wait3A] : memref<80xi32, #tpu.memory_space<vmem>> -> memref<64xi32, #tpu.memory_space<vmem>>
      %dma_wait3A_69 = tpu.memref_slice %arg3[%mul3A_62] : memref<2048xi32, #tpu.memory_space<hbm>> -> memref<64xi32, #tpu.memory_space<hbm>>
      %dma_wait3A_70 = tpu.memref_slice %arg3[%mul3A_62] : memref<2048xi32, #tpu.memory_space<hbm>> -> memref<64xi32, #tpu.memory_space<hbm>>
      %dma_wait3A_71 = arith.constant 0 : i32
      %dma_wait3A_72 = tpu.memref_slice %arg7[%dma_wait3A_71] : memref<80xi32, #tpu.memory_space<vmem>> -> memref<64xi32, #tpu.memory_space<vmem>>
      tpu.wait_dma2 semaphore(%run_scoped3A : memref<!tpu.dma_semaphore, #tpu.memory_space<semaphore_mem>>) src(%dma_wait3A_72 : memref<64xi32, #tpu.memory_space<vmem>>) dst(%dma_wait3A_70 : memref<64xi32, #tpu.memory_space<hbm>>)
      tpu.yield
    }) : () -> ()
    return
  }
}

module attributes {stable_mosaic.version = 14 : i64} {
  func.func @_mlp_body(%arg0: i32, %arg1: memref<32x2048xf32, #tpu.memory_space<vmem>>, %arg2: memref<2048x128xf32, #tpu.memory_space<vmem>>, %arg3: memref<1x128xf32, #tpu.memory_space<vmem>>, %arg4: memref<128x4096xf32, #tpu.memory_space<vmem>>, %arg5: memref<1x4096xf32, #tpu.memory_space<vmem>>, %arg6: memref<32x4096xf32, #tpu.memory_space<vmem>>, %arg7: memref<32x128xf32, #tpu.memory_space<vmem>>) attributes {dimension_semantics = [#tpu.dimension_semantics<arbitrary>], iteration_bounds = array<i64: 8>, scalar_prefetch = 0 : i64, scratch_operands = 1 : i64, tpu.core_type = #tpu.core_type<tc>, window_params = [{pipeline_mode = #tpu.pipeline_mode<synchronous>, transform_indices = @transform_0, window_bounds = array<i64: 32, 2048>}, {pipeline_mode = #tpu.pipeline_mode<synchronous>, transform_indices = @transform_1, window_bounds = array<i64: 2048, 128>}, {pipeline_mode = #tpu.pipeline_mode<synchronous>, transform_indices = @transform_2, window_bounds = array<i64: 1, 128>}, {transform_indices = @transform_3, window_bounds = array<i64: 128, 4096>}, {transform_indices = @transform_4, window_bounds = array<i64: 1, 4096>}, {transform_indices = @transform_5, window_bounds = array<i64: 32, 4096>}]} {
    %eq3A = arith.constant 0 : i32
    %eq3A_0 = arith.cmpi eq, %arg0, %eq3A : i32
    %convert_element_type3A = arith.extui %eq3A_0 : i1 to i32
    %cond3A = arith.constant 0 : i32
    %cond3A_1 = arith.cmpi ne, %convert_element_type3A, %cond3A : i32
    scf.if %cond3A_1 {
      %get3A_14 = arith.constant 0 : index
      %get3A_15 = arith.constant 0 : index
      %get3A_16 = vector.load %arg1[%get3A_14, %get3A_15] : memref<32x2048xf32, #tpu.memory_space<vmem>>, vector<32x2048xf32>
      %get3A_17 = arith.constant 0 : index
      %get3A_18 = arith.constant 0 : index
      %get3A_19 = vector.load %arg2[%get3A_17, %get3A_18] : memref<2048x128xf32, #tpu.memory_space<vmem>>, vector<2048x128xf32>
      %dot_general3A_20 = arith.constant dense<0.000000e+00> : vector<32x128xf32>
      %dot_general3A_21 = tpu.matmul %get3A_16, %get3A_19, %dot_general3A_20 {dimension_numbers = #tpu.dot_dimension_numbers<[1], [0], [0], [1], [0, 0, 1, 1], [], []>, transpose_lhs_hint = false} : vector<32x2048xf32>, vector<2048x128xf32>, vector<32x128xf32> -> vector<32x128xf32>
      %get3A_22 = arith.constant 0 : index
      %get3A_23 = arith.constant 0 : index
      %get3A_24 = vector.load %arg3[%get3A_22, %get3A_23] : memref<1x128xf32, #tpu.memory_space<vmem>>, vector<1x128xf32>
      %add3A_25 = vector.broadcast %get3A_24 : vector<1x128xf32> to vector<32x128xf32>
      %add3A_26 = arith.addf %dot_general3A_21, %add3A_25 : vector<32x128xf32>
      %max3A = arith.constant 0.000000e+00 : f32
      %max3A_27 = vector.broadcast %max3A : f32 to vector<32x128xf32>
      %max3A_28 = arith.maximumf %add3A_26, %max3A_27 : vector<32x128xf32>
      %swap3A_29 = arith.constant 0 : index
      %swap3A_30 = arith.constant 0 : index
      %swap3A_31 = vector.load %arg7[%swap3A_29, %swap3A_30] : memref<32x128xf32, #tpu.memory_space<vmem>>, vector<32x128xf32>
      tpu.vector_store %arg7[%swap3A_29, %swap3A_30], %max3A_28 {strides = array<i32>} : memref<32x128xf32, #tpu.memory_space<vmem>>, vector<32x128xf32>,
    } else {
    }
    %get3A = arith.constant 0 : index
    %get3A_2 = arith.constant 0 : index
    %get3A_3 = vector.load %arg7[%get3A, %get3A_2] : memref<32x128xf32, #tpu.memory_space<vmem>>, vector<32x128xf32>
    %get3A_4 = arith.constant 0 : index
    %get3A_5 = arith.constant 0 : index
    %get3A_6 = vector.load %arg4[%get3A_4, %get3A_5] : memref<128x4096xf32, #tpu.memory_space<vmem>>, vector<128x4096xf32>
    %dot_general3A = arith.constant dense<0.000000e+00> : vector<32x4096xf32>
    %dot_general3A_7 = tpu.matmul %get3A_3, %get3A_6, %dot_general3A {dimension_numbers = #tpu.dot_dimension_numbers<[1], [0], [0], [1], [0, 0, 1, 1], [], []>, transpose_lhs_hint = false} : vector<32x128xf32>, vector<128x4096xf32>, vector<32x4096xf32> -> vector<32x4096xf32>
    %get3A_8 = arith.constant 0 : index
    %get3A_9 = arith.constant 0 : index
    %get3A_10 = vector.load %arg5[%get3A_8, %get3A_9] : memref<1x4096xf32, #tpu.memory_space<vmem>>, vector<1x4096xf32>
    %add3A = vector.broadcast %get3A_10 : vector<1x4096xf32> to vector<32x4096xf32>
    %add3A_11 = arith.addf %dot_general3A_7, %add3A : vector<32x4096xf32>
    %swap3A = arith.constant 0 : index
    %swap3A_12 = arith.constant 0 : index
    %swap3A_13 = vector.load %arg6[%swap3A, %swap3A_12] : memref<32x4096xf32, #tpu.memory_space<vmem>>, vector<32x4096xf32>
    tpu.vector_store %arg6[%swap3A, %swap3A_12], %add3A_11 {strides = array<i32>} : memref<32x4096xf32, #tpu.memory_space<vmem>>, vector<32x4096xf32>,
    return
  }
  func.func @transform_0(%arg0: i32) -> (i32, i32) {
    %c0_i32 = arith.constant 0 : i32
    %c0_i32_0 = arith.constant 0 : i32
    %c0_i32_1 = arith.constant 0 : i32
    return %c0_i32, %c0_i32_0 : i32, i32
  }
  func.func @transform_1(%arg0: i32) -> (i32, i32) {
    %c0_i32 = arith.constant 0 : i32
    %c0_i32_0 = arith.constant 0 : i32
    %c0_i32_1 = arith.constant 0 : i32
    return %c0_i32, %c0_i32_0 : i32, i32
  }
  func.func @transform_2(%arg0: i32) -> (i32, i32) {
    %c0_i32 = arith.constant 0 : i32
    %c0_i32_0 = arith.constant 0 : i32
    %c0_i32_1 = arith.constant 0 : i32
    return %c0_i32, %c0_i32_0 : i32, i32
  }
  func.func @transform_3(%arg0: i32) -> (i32, i32) {
    %c0_i32 = arith.constant 0 : i32
    %c0_i32_0 = arith.constant 0 : i32
    return %c0_i32, %arg0 : i32, i32
  }
  func.func @transform_4(%arg0: i32) -> (i32, i32) {
    %c0_i32 = arith.constant 0 : i32
    %c0_i32_0 = arith.constant 0 : i32
    return %c0_i32, %arg0 : i32, i32
  }
  func.func @transform_5(%arg0: i32) -> (i32, i32) {
    %c0_i32 = arith.constant 0 : i32
    %c0_i32_0 = arith.constant 0 : i32
    return %c0_i32, %arg0 : i32, i32
  }
}

</mosaic_0001>

<sc_bundles>
// kernel: kernel.4.cloned.1.call-start
scs
__scs_entry_jumppad:
0x0: {  	(pc) =	sbr.rel $0x88, $3  }
0x1: {  	(tag) =	ssettag $0x0;
	lr =	simm.s32 $0x1  }
0x2: {  	[smem:$0x3F9C] =	sst lr;
	_ =	strace $0xD0000000  }
0x3: {  	_ = 	snop  }
0x4: {  	_ = 	snop  }
0x5: {  	_ = 	snop  }
0x6: {  	_ = 	snop  }
0x7: {  	_ = 	snop  }
__scs_overlays_trampoline_lowered:
0x8: {  	[smem:$0x3FAB] =	sst s0  }
0x9: {  	[smem:$0x3FAC] =	sst s1  }
0xa: {  	[smem:$0x3FAD] =	sst s2  }
0xb: {  	[smem:$0x3FAE] =	sst s3  }
0xc: {  	[smem:$0x3FAF] =	sst s4  }
0xd: {  	[smem:$0x3FB0] =	sst s5  }
0xe: {  	[smem:$0x3FB1] =	sst s6  }
0xf: {  	[smem:$0x3FB2] =	sst s7  }
0x10: {  	[smem:$0x3FB3] =	sst s8  }
0x11: {  	[smem:$0x3FB4] =	sst s9;
	s0 =	simm.s32 @!p0 $0x0  }
0x12: {  	s1 =	sld [smem:$0x3F9A];
	s0 =	simm.s32 @p0 $0x1  }
0x13: {  	[smem:$0x3FB5] =	sst s0;
	s0 =	simm.s32 @!p1 $0x0  }
0x14: {  	s2 =	sld [smem:$0x3F99];
	s0 =	simm.s32 @p1 $0x1  }
0x15: {  	[smem:$0x3FB6] =	sst s0;
	s0 =	simm.s32 @!p2 $0x0  }
0x16: {  	s3 =	sld [smem:$0x3FDB];
	s0 =	simm.s32 @p2 $0x1  }
0x17: {  	s4 =	simm.s32 $0x1BF5;
	[smem:$0x3FB8] =	sst s0  }
0x18: {  	s0 =	sld [smem:$0x3F9B];
	_ =	swait.ge [sflag:s4], $0x0  }
0x19: {  	s7 =	sld [smem:$0x3F9C]  }
0x1a: {  	s8 =	sadd.s32 $0xFFFFE003, lr  }
0x1b: {  	s9 =	sadd.s32 $0xFFFFFEF7, lr;
	s5 =	simm.s32 $0xFFFFFFFF;
	p2 =	slt.u32 s8, $0xFFFFF086  }
0x1c: {  	p1 =	slt.u32 s9, $0xF7A;
	s5 =	simm.s32 @!p2 $0x0  }
0x1d: {  	s5 =	simm.s32 @p1 $0x1;
	p0 =	seq.s32 s7, s2  }
0x1e: {  	s7 =	smul.u32 @!p0 $0xF7A, s2;
	p2 =	seq.s32 @!p0 s5, $0x0  }
0x1f: {  	s9 =	smul.u32 $0xF7A, s1;
	s8 =	simm.s32 @!p0 $0x1BF5;
	p2 =	por !p2, p0  }
0x20: {  	[sflag:s8] =	ssyncset.s32 @!p0 $0xFFFFF086;
	s6 =	sadd.s32 @!p0 s3, s7;
	s7 =	simm.s32 @!p0 $0x108  }
0x21: {  	s3 =	sadd.s32 s3, s9;
	s6 =	sadd.s32 @!p0 $0x88, s6;
	s7 =	simm.s32 @p2 $0x1082  }
0x22: {  	[simem:s7], [sflag:s8] =	dma.local @!p0 [hbm:s6], $0xF7A  }
0x23: {  	s9 =	sor.u32 $0xD0000000, s2;
	s6 =	simm.s32 $0x108;
	_ =	swait.ge @!p0 [sflag:s8], $0x0  }
0x24: {  	s3 =	sadd.s32 $0x88, s3;
	s6 =	simm.s32 @!p1 $0x1082;
	[sflag:s4] =	ssyncset.s32 $0xFFFFF086  }
0x25: {  	[simem:s6], [sflag:s4] =	dma.local [hbm:s3], $0xF7A  }
0x26: {  	[smem:$0x3F9C] =	sst s1;
	(tag) =	ssettag s2;
	_ =	strace s9  }
0x27: {  	s1 =	sld [smem:$0x3FAC]  }
0x28: {  	s2 =	sld [smem:$0x3FAD]  }
0x29: {  	s4 =	sld [smem:$0x3FAF]  }
0x2a: {  	p0 =	seq.s32 s5, $0x0;
	s5 =	sld [smem:$0x3FB0]  }
0x2b: {  	s6 =	sld [smem:$0x3FB1]  }
0x2c: {  	s7 =	sld [smem:$0x3FB2]  }
0x2d: {  	s3 =	simm.s32 $0x108;
	s8 =	sld [smem:$0x3FB3]  }
0x2e: {  	s3 =	simm.s32 @!p0 $0x1082;
	s9 =	sld [smem:$0x3FB4]  }
0x2f: {  	lr =	sadd.s32 s0, s3;
	s0 =	sld [smem:$0x3FAB]  }
0x30: {  	s3 =	sld [smem:$0x3FAE]  }
0x31: {  	[smem:$0x3FB7] =	sst s10  }
0x32: {  	s10 =	sld [smem:$0x3FB5];
	_ =	sdelay $0x3  }
0x33: {  	p0 =	seq.s32 s10, $0x1;
	s10 =	sld [smem:$0x3FB7];
	_ =	sdelay $0x3  }
0x34: {  	[smem:$0x3FB7] =	sst s10  }
0x35: {  	s10 =	sld [smem:$0x3FB6];
	_ =	sdelay $0x3  }
0x36: {  	p1 =	seq.s32 s10, $0x1;
	s10 =	sld [smem:$0x3FB7];
	_ =	sdelay $0x3  }
0x37: {  	[smem:$0x3FB7] =	sst s10  }
0x38: {  	s10 =	sld [smem:$0x3FB8]  }
0x39: {  	_ = 	snop;
	(pc) =	sbr.ind lr, $3  }
0x3a: {  	_ = 	snop  }
0x3b: {  	_ = 	snop  }
0x3c: {  	p2 =	seq.s32 s10, $0x1;
	s10 =	sld [smem:$0x3FB7]  }
0x3d: {  	_ =	shalt  }
0x3e: {  	_ =	shalt  }
0x3f: {  	_ =	shalt  }
0x40: {  	_ =	shalt  }
0x41: {  	_ =	shalt  }
0x42: {  	_ =	shalt  }
0x43: {  	_ =	shalt  }
0x44: {  	_ =	shalt  }
0x45: {  	_ =	shalt  }
0x46: {  	_ =	shalt  }
0x47: {  	_ =	shalt  }
0x48: {  	_ =	shalt  }
0x49: {  	_ =	shalt  }
0x4a: {  	_ =	shalt  }
0x4b: {  	_ =	shalt  }
0x4c: {  	_ =	shalt  }
0x4d: {  	_ =	shalt  }
0x4e: {  	_ =	shalt  }
0x4f: {  	_ =	shalt  }
0x50: {  	_ =	shalt  }
0x51: {  	_ =	shalt  }
0x52: {  	_ =	shalt  }
0x53: {  	_ =	shalt  }
0x54: {  	_ =	shalt  }
0x55: {  	_ =	shalt  }
0x56: {  	_ =	shalt  }
0x57: {  	_ =	shalt  }
0x58: {  	_ =	shalt  }
0x59: {  	_ =	shalt  }
0x5a: {  	_ =	shalt  }
0x5b: {  	_ =	shalt  }
0x5c: {  	_ =	shalt  }
0x5d: {  	_ =	shalt  }
0x5e: {  	_ =	shalt  }
0x5f: {  	_ =	shalt  }
0x60: {  	_ =	shalt  }
0x61: {  	_ =	shalt  }
0x62: {  	_ =	shalt  }
0x63: {  	_ =	shalt  }
0x64: {  	_ =	shalt  }
0x65: {  	_ =	shalt  }
0x66: {  	_ =	shalt  }
0x67: {  	_ =	shalt  }
0x68: {  	_ =	shalt  }
0x69: {  	_ =	shalt  }
0x6a: {  	_ =	shalt  }
0x6b: {  	_ =	shalt  }
0x6c: {  	_ =	shalt  }
0x6d: {  	_ =	shalt  }
0x6e: {  	_ =	shalt  }
0x6f: {  	_ =	shalt  }
0x70: {  	_ =	shalt  }
0x71: {  	_ =	shalt  }
0x72: {  	_ =	shalt  }
0x73: {  	_ =	shalt  }
0x74: {  	_ =	shalt  }
0x75: {  	_ =	shalt  }
0x76: {  	_ =	shalt  }
0x77: {  	_ =	shalt  }
0x78: {  	_ =	shalt  }
0x79: {  	_ =	shalt  }
0x7a: {  	_ =	shalt  }
0x7b: {  	_ =	shalt  }
0x7c: {  	_ =	shalt  }
0x7d: {  	_ =	shalt  }
0x7e: {  	_ =	shalt  }
0x7f: {  	_ =	shalt  }
0x80: {  	_ =	shalt  }
0x81: {  	_ =	shalt  }
0x82: {  	_ =	shalt  }
0x83: {  	_ =	shalt  }
0x84: {  	_ =	shalt  }
0x85: {  	_ =	shalt  }
0x86: {  	_ =	shalt  }
0x87: {  	_ =	shalt  }
.Lfunc_end0:
.L_simem_size_0:
called_computation_lowered:
.L_overlay_start_0:
0x88: {  	s2 =	sld [smem:$0x3FD9]  }
0x89: {  	s3 =	sld [smem:$0x3FFE];
	_ =	sdelay $0x1  }
0x8a: {  	s1 =	srdreg.scid  }
0x8b: {  	s0 =	sand.u32 $0x1, s1  }
0x8c: {  	s14 =	sshll.u32 s0, $0xA;
	s2 =	sadd.s32 s3, s2  }
0x8d: {  	s2 =	sadd.s32 s2, s14  }
0x8e: {  	[smem:$0x3FC3] =	sst s2  }
0x8f: {  	_ = 	snop  }
0x90: {  	s2 =	sld [smem:$0x3FD0];
	_ =	sdelay $0x2  }
0x91: {  	s15 =	simm.s32 $0xA;
	s4 =	simm.s32 $0x10  }
0x92: {  	[smem:s4], [sflag:s15] =	dma.local [hbm:s2], $0x1  }
0x93: {  	_ =	swait.eq [sflag:s15], $0x1  }
0x94: {  	[sflag:s15] =	ssyncset.done $0x0  }
0x95: {  	[sflag:s15] =	ssyncadd.s32 $0xFFFFFFFF  }
0x96: {  	s16 =	sld [smem:$0x10];
	(tm) =	ssettm $0x1  }
0x97: {  	s17 =	sld [smem:$0x3FFB];
	_ =	sdelay $0x3  }
0x98: {  	_ =	strace s17  }
0x99: {  	s3 =	sld [smem:$0x3FFC];
	_ =	sdelay $0x3  }
0x9a: {  	_ =	strace s3  }
0x9b: {  	s3 =	sld [smem:$0x3FFD];
	_ =	sdelay $0x3  }
0x9c: {  	_ =	strace s3  }
0x9d: {  	_ =	strace $0x8FFFFFFF  }
0x9e: {  	s18 =	sld [smem:$0x3FDB];
	_ =	sdelay $0x1  }
0x9f: {  	s19 =	simm.s32 $_scs_section_size  }
0xa0: {  	s5 =	simm.s32 $_size__tile_overlayer_lowered;
	s6 =	simm.s32 $_tile_overlayer_lowered  }
0xa1: {  	s22 =	simm.s32 $0x1BFF;
	s21 =	sshll.u32 s6, $0x1;
	s3 =	sadd.s32 s19, s18  }
0xa2: {  	s7 =	simm.s32 $0x0;
	s20 =	sshll.u32 s5, $0x1;
	s5 =	sadd.s32 s21, s3  }
0xa3: {  	[timem:s7], [sflag:s22] =	dma.local [hbm:s5], s20  }
0xa4: {  	_ =	swait.ge [sflag:s22], s20  }
0xa5: {  	s4 =	ssub.s32 $0x0, s20;
	[sflag:s22] =	ssyncset.done $0x0  }
0xa6: {  	[sflag:s22] =	ssyncadd.s32 s4;
	_ =	sdelay $0x1  }
0xa7: {  	s23 =	simm.s32 $0x1B8B  }
0xa8: {  	_ =	swait.ge [sflag:s23], $0x1  }
0xa9: {  	[sflag:s23] =	ssyncset.done $0x0  }
0xaa: {  	s25 =	simm.s32 $0x1B8E;
	s24 =	sld [smem:$0x3FFE];
	[sflag:s23] =	ssyncadd.s32 $0xFFFFFFFF  }
0xab: {  	s26 =	simm.s32 $execute0_lowered;
	[smem:$0x3FD2] =	sst s25  }
0xac: {  	s5 =	sshll.u32 s26, $0x1;
	_ =	strace $0x80000046;
	[dreg:$0x1] =	wrdreg $0xFFFFFFFF  }
0xad: {  	s28 =	simm.s32 $_size_execute0_lowered;
	s3 =	sadd.s32 s3, s5;
	[dreg:$0x0] =	wrdreg $0x0  }
0xae: {  	s5 =	sshll.u32 s28, $0x1;
	[dreg:$0x2] =	wrdreg s3  }
0xaf: {  	[dreg:$0x3] =	wrdreg s5  }
0xb0: {  	[dreg:$0x4] =	wrdreg $0xC0  }
0xb1: {  	_ =	task [dreg:s7], $0x5FFFF  }
0xb2: {  	[dreg:$0x1] =	wrdreg $0xFFFFFFFF  }
0xb3: {  	[dreg:$0x0] =	wrdreg $0x60  }
0xb4: {  	[dreg:$0x2] =	wrdreg s16  }
0xb5: {  	[dreg:$0x3] =	wrdreg s24  }
0xb6: {  	[dreg:$0x4] =	wrdreg $0x9  }
0xb7: {  	_ =	task.clear_ibuf [dreg:s7], $0x5FFFF;
	_ =	strace $0x90000046  }
0xb8: {  	s29 =	simm.s32 $0x9;
	_ =	strace $0x80000048  }
0xb9: {  	_ =	swait.ge [sflag:s29], $0x1  }
0xba: {  	[sflag:s29] =	ssyncadd.s32 $0xFFFFFFFF  }
0xbb: {  	_ =	strace $0x90000048  }
0xbc: {  	_ =	sfence  }
0xbd: {  	s30 =	sld [smem:$0x0];
	_ =	sdelay $0x2  }
0xbe: {  	s31 =	sshll.u32 s1, $0xD;
	s1 =	sshrl.u32 s1, $0x2  }
0xbf: {  	s3 =	sand.u32 $0x4000, s31;
	s1 =	sadd.s32 s1, s30  }
0xc0: {  	s0 =	sor.u32 s3, s0;
	s1 =	sshll.u32 s1, $0x11  }
0xc1: {  	s0 =	sor.u32 s1, s0  }
0xc2: {  	s0 =	sadd.s32 $0x8F2B, s0  }
0xc3: {  	[sflag:s0] =	ssyncadd.remote.s32 $0x1  }
0xc4: {  	_ =	sfence.sel $0xFFFF  }
0xc5: {  	[dreg:$0x0] =	wrdreg $0xFFFFFFFF;
	(pc) =	sbr.abs _section_cstart, $3  }
0xc6: {  	[dreg:$0x1] =	wrdreg $0xFFFFFFFF  }
0xc7: {  	_ =	task.clear_ibuf [dreg:s7], $0x2FFFF;
	_ =	strace $0x9FFFFFFF  }
0xc8: {  	(tm) =	ssettm $0x7FFFFFFF  }
0xc9: {  	_ =	shalt  }
tec
execute0_lowered:
.L_overlay_start_1:
0x0: {  	(tag) =	ssettag $0x1  }
0x1: {  	s3 =	rddreg [dreg:$0x0];
	s1 =	srdreg.scid  }
0x2: {  	s0 =	stileid.u32;
	s4 =	rddreg [dreg:$0x1];
	s2 =	simm.s32 $0x0  }
0x3: {  	s9 =	simm.s32 $0x9100;
	s5 =	sand.u32 $0x1, s1;
	s1 =	rddreg [dreg:$0x2]  }
0x4: {  	s10 =	simm.s32 $0x0;
	s6 =	sshll.u32 s0, $0x1;
	[smem:$0x7FF] =	sst s2  }
0x5: {  	s31 =	sshll.u32 s0, $0xD;
	s6 =	sor.u32 s5, s6;
	_ =	strace $0x80000047  }
0x6: {  	s5 =	ssub.s32 $0x2, s5;
	s7 =	sshll.u32 s6, $0x3;
	s6 =	sshll.u32 s6, $0x4  }
0x7: {  	s8 =	sshrl.u32 s5, $0x1;
	s4 =	sadd.s32 s7, s4;
	s7 =	sand.u32 $0x18000, s31  }
0x8: {  	s6 =	sand.u32 $0x70, s6;
	s5 =	ssub.s32 s5, s8;
	s8 =	simm.s32 $0x1  }
0x9: {  	s3 =	sadd.s32 s3, s7;
	s4 =	sadd.s32 $0xE00, s4;
	s5 =	smax.u32 s5, $0x1  }
0xa: {  	v0 =	vimm.f32 $-Inf;
	v1 =	vlaneseq.u32;
	v2 =	vimm.s32 $0x0;
	s7 =	simm.s32 $0x400;
	s3 =	sadd.s32 s6, s3;
	s6 =	simm.s32 $0x80  }
.LBB2_1:
0xb: {  	[tilespmem:s2], [sflag:$0x1] =	stream.strided.gather [hbm4b:s3+s6], $0x8000, s7, s6, $0x38;
	[tilespmem:$0x9180] =	vst v63  }
0xc: {  	p1 =	por $0x0, $0x0  }
.Ltmp0:
0xd: {  	_ = 	snop;
	(pc) =	sbr.rel @p1 .LBB2_2-.Ltmp0, $4  }
0xe: {  	_ =	swait.ge [sflag:s8], $0x8000  }
0xf: {  	[sflag:s8] =	ssyncset.done $0x0  }
0x10: {  	s11 =	simm.s32 $0x0;
	[sflag:s8] =	ssyncadd.s32 $0xFFFF8000  }
0x11: {  	p0 =	por $0x0, $0x0;
	v9 =	vld [tilespmem:s11+$0x0]  }
0x12: {  	_ =	sdelay $0x1  }
0x13: {  	s12 =	simm.s32 $0x10;
	p1 =	por $0x0, $0x0  }
.Ltmp1:
0x14: {  	v10 =	vld [tilespmem:s12+$0x0];
	(pc) =	sbr.rel @p1 .LBB2_4-.Ltmp1, $4  }
0x15: {  	v3 =	vmin.f32 v0, v9  }
0x16: {  	v4 =	vmin.f32 v0, v3  }
0x17: {  	v7 =	vimm.f32 $-Inf;
	v5 =	vmin.f32 v0, v4  }
0x18: {  	s11 =	simm.s32 $0x80;
	p0 =	por $0x1, $0x1;
	v8 =	vimm.f32 $-Inf;
	v6 =	vmax.f32 v0, v9;
	v5 =	vmax.f32 v0, v5  }
.LBB2_5:
0x19: {  	s12 =	sshra.s32 s11, $0x2;
	p1 =	seq.s32 s11, $0x1FFC0;
	s11 =	sadd.s32 $0x40, s11;
	v7 =	vmax.f32 v7, v3;
	v3 =	vmin.f32 v6, v10;
	v9 =	vmov v10  }
.Ltmp2:
0x1a: {  	v8 =	vmax.f32 v8, v4;
	v10 =	vld [tilespmem:s12+$0x0];
	v4 =	vmin.f32 v7, v3;
	(pc) =	sbr.rel @!p1 .LBB2_5-.Ltmp2, $3  }
0x1b: {  	v11 =	vmin.f32 v8, v4  }
0x1c: {  	v5 =	vmax.f32 v5, v11;
	_ =	sdelay $0x1  }
0x1d: {  	v6 =	vmax.f32 v6, v9  }
0x1e: {  	v9 =	vmov v10  }
.LBB2_7:
0x1f: {  	v3 =	vmax.f32 @p0 v7, v3  }
0x20: {  	v6 =	vmin.f32 v6, v9;
	v4 =	vmax.f32 @p0 v8, v4;
	v3 =	vpsel p0, v3, v0  }
0x21: {  	v4 =	vpsel p0, v4, v0;
	v3 =	vmin.f32 v3, v6  }
0x22: {  	v3 =	vmin.f32 v4, v3  }
0x23: {  	s11 =	simm.s32 $0x40;
	s12 =	simm.s32 $0x0;
	v3 =	vmax.f32 v5, v3  }
.LBB2_8:
0x24: {  	p0 =	seq.s32 s11, $0x2000;
	[tilespmem:s12+$0x8000] =	vst v0;
	s12 =	smov.u32 s11;
	s11 =	sadd.s32 $0x40, s11  }
.Ltmp3:
0x25: {  	(pc) =	sbr.rel @!p0 .LBB2_8-.Ltmp3, $2  }
0x26: {  	_ =	sdelay $0x2  }
0x27: {  	s12 =	sshra.s32 s12, $0x2  }
0x28: {  	(xrf0) =	vmin.scan.msk.f32 $0xffff, v3;
	_ =	sdelay $0x5  }
0x29: {  	[tilespmem:s12+$0x8000] =	vst v0;
	s12 =	simm.s32 $0x0;
	v3, _, _ =	vpop (xrf0)  }
0x2a: {  	v4 =	vbroadcast v3, $0xF;
	v3 =	vld [tilespmem:s12+$0x0];
	_ =	sdelay $0x4  }
0x2b: {  	vm0 =	vge.f32 v3, v4  }
0x2c: {  	v5 =	vsel vm0, $0x1, v2  }
0x2d: {  	(xrf0) =	vadd.scan.msk.s32 $0xffff, v5;
	_ =	sdelay $0x5  }
0x2e: {  	[tilespmem:s12+$0x8000] =	vst.msk vm0, v3;
	v3, _, _ =	vpop (xrf0)  }
0x2f: {  	(v2sf) =	vpush v3, $0xF;
	_ =	sdelay $0x1  }
0x30: {  	v5 =	vor.u32 s12, v1  }
0x31: {  	s11 =	simm.s32 $0x10;
	[tilespmem:s12+$0x8880] =	vst.msk vm0, v5  }
0x32: {  	s13 =	simm.s32 $0x20;
	s14 =	simm.s32 $0x10;
	v3 =	vld [tilespmem:s11+$0x0]  }
.LBB2_10:
0x33: {  	p0 =	sne.s32 s13, $0x7FF0;
	_ =	sdelay $0x3  }
0x34: {  	vm0 =	vge.f32 v3, v4  }
0x35: {  	v5 =	vsel vm0, $0x1, v2  }
0x36: {  	(xrf0) =	vadd.scan.msk.s32 $0xffff, v5;
	_ =	sdelay $0x3  }
0x37: {  	s15 =	spop (v2sf)  }
0x38: {  	s12 =	sadd.s32 s12, s15  }
0x39: {  	v5, _, _ =	vpop (xrf0);
	p1 =	slt.s32 s12, $0x800  }
.Ltmp4:
0x3a: {  	(v2sf) =	vpush v5, $0xF;
	s12 =	simm.s32 @!p1 $0x800;
	(pc) =	sbr.rel @p0 .LBB2_10-.Ltmp4, $4  }
0x3b: {  	v5 =	vor.u32 s11, v1;
	s11 =	smov.u32 s13;
	[tilespmem:s12+$0x8000] =	vst.msk vm0, v3  }
0x3c: {  	[tilespmem:s12+$0x8880] =	vst.msk vm0, v5  }
0x3d: {  	s14 =	sadd.s32 $0x10, s14  }
0x3e: {  	s13 =	sadd.s32 $0x10, s13;
	v3 =	vld [tilespmem:s14+$0x0]  }
0x3f: {  	_ =	sdelay $0x3  }
0x40: {  	vm0 =	vge.f32 v3, v4  }
0x41: {  	v4 =	vsel vm0, $0x1, v2  }
0x42: {  	(xrf0) =	vadd.scan.msk.s32 $0xffff, v4;
	_ =	sdelay $0x5  }
0x43: {  	v4, _, _ =	vpop (xrf0)  }
0x44: {  	(v2sf) =	vpush v4, $0xF;
	_ =	sdelay $0xb  }
0x45: {  	s13 =	spop (v2sf)  }
0x46: {  	s12 =	sadd.s32 s12, s13  }
0x47: {  	p0 =	slt.s32 s12, $0x800  }
0x48: {  	s12 =	simm.s32 @!p0 $0x800;
	s30 =	spop (v2sf)  }
0x49: {  	s13 =	sadd.s32 s12, s30  }
0x4a: {  	p0 =	slt.s32 s13, $0x800  }
0x4b: {  	p1 =	slt.s32 s13, $0xFFFFFFF2;
	s13 =	simm.s32 @!p0 $0x800  }
0x4c: {  	s13 =	sadd.s32 $0xF, s13  }
0x4d: {  	s14 =	sand.u32 $0xF, s13  }
0x4e: {  	s31 =	sshra.s32 s13, $0x1F;
	p6 =	sne.s32 s14, $0x0  }
0x4f: {  	s14 =	sshrl.u32 s31, $0x1C;
	p0 =	por !p1, !p6  }
0x50: {  	s13 =	sadd.s32 s14, s13;
	s14 =	simm.s32 $0x1;
	p0 =	por !p0, !p0  }
0x51: {  	s13 =	sshra.s32 s13, $0x4;
	s14 =	simm.s32 @!p0 $0x0  }
0x52: {  	v63 =	vor.u32 s11, v1;
	[tilespmem:s12+$0x8000] =	vst.msk vm0, v3;
	s11 =	ssub.s32 s13, s14  }
0x53: {  	s15 =	simm.s32 $0x40;
	[tilespmem:s12+$0x8880] =	vst.msk vm0, v63;
	s14 =	simm.f32 $+Inf;
	p1 =	sgt.s32 s11, $0x0  }
.LBB2_12:
.Ltmp5:
0x54: {  	(pc) =	sbr.rel @!p1 .LBB2_13-.Ltmp5, $1  }
0x55: {  	_ =	sdelay $0x3  }
0x56: {  	s13 =	simm.s32 $0x8000  }
0x57: {  	p0 =	sne.s32 s11, $0x1;
	v5 =	vld [tilespmem:s13+$0x0]  }
.Ltmp6:
0x58: {  	_ = 	snop;
	(pc) =	sbr.rel @!p0 .LBB2_16-.Ltmp6, $3  }
0x59: {  	_ =	sdelay $0x1  }
0x5a: {  	v4 =	vmov s14;
	v3 =	vimm.f32 $-Inf  }
0x5b: {  	s12 =	smov.u32 s15;
	s14 =	sadd.s32 $0xFFFFFFFF, s11;
	s15 =	simm.s32 $0x8010;
	vm0 =	vlt.f32 v5, v4;
	v5 =	vmax.f32 v3, v5  }
.LBB2_15:
0x5c: {  	v6 =	vld [tilespmem:s15+$0x0];
	p2 =	sne.s32 s14, $0x1;
	s14 =	sadd.s32 $0xFFFFFFFF, s14;
	v3 =	vsel vm0, v5, v3  }
.Ltmp7:
0x5d: {  	(pc) =	sbr.rel @p2 .LBB2_15-.Ltmp7, $2  }
0x5e: {  	_ =	sdelay $0x2  }
0x5f: {  	s15 =	sadd.s32 $0x10, s15;
	vm0 =	vlt.f32 v6, v4;
	v5 =	vmax.f32 v3, v6  }
.LBB2_16:
0x60: {  	v3 =	vsel vm0, v5, v3  }
0x61: {  	(xrf0) =	vmax.scan.msk.f32 $0xffff, v3;
	_ =	sdelay $0x5  }
0x62: {  	v3, _, _ =	vpop (xrf0)  }
0x63: {  	(v2sf) =	vpush v3, $0xF;
	_ =	sdelay $0x9  }
0x64: {  	v4 =	vld [tilespmem:s13+$0x0]  }
.Ltmp8:
0x65: {  	_ = 	snop;
	(pc) =	sbr.rel @!p0 .LBB2_17-.Ltmp8, $4  }
0x66: {  	_ = 	snop  }
0x67: {  	s15 =	simm.s32 $0x0;
	s13 =	sadd.s32 $0xFFFFFFFF, s11;
	v3 =	vbroadcast v3, $0xF  }
0x68: {  	s16 =	simm.s32 $0x8010;
	p2 =	por $0x0, $0x0;
	p3 =	por $0x0, $0x0  }
0x69: {  	p4 =	por $0x0, $0x0;
	p5 =	por $0x0, $0x0;
	vm0 =	veq.f32 v4, v3;
	s14 =	spop (v2sf)  }
0x6a: {  	v4 =	vld [tilespmem:s16+$0x0];
	p6 =	sne.s32 s13, $0x1  }
.Ltmp9:
0x6b: {  	_ = 	snop;
	(pc) =	sbr.rel @!p6 .LBB2_19-.Ltmp9, $3  }
0x6c: {  	_ =	sdelay $0x1  }
0x6d: {  	v5 =	vsel vm0, $0x1, v2  }
0x6e: {  	s16 =	sadd.s32 $0xFFFFFFFF, s13;
	s17 =	simm.s32 $0x8020;
	p2 =	por $0x1, $0x1;
	(xrf0) =	vadd.scan.msk.s32 $0xffff, v5;
	vm0 =	veq.f32 v4, v3  }
0x6f: {  	_ = 	snop  }
0x70: {  	v4 =	vld [tilespmem:s17+$0x0];
	p6 =	sne.s32 s16, $0x1  }
.Ltmp10:
0x71: {  	_ = 	snop;
	(pc) =	sbr.rel @!p6 .LBB2_21-.Ltmp10, $3  }
0x72: {  	_ =	sdelay $0x1  }
0x73: {  	v5 =	vsel vm0, $0x1, v2;
	v6, _, _ =	vpop (xrf0)  }
0x74: {  	s16 =	sadd.s32 $0xFFFFFFFF, s16;
	s17 =	simm.s32 $0x8030;
	p3 =	por $0x1, $0x1;
	(xrf0) =	vadd.scan.msk.s32 $0xffff, v5;
	vm0 =	veq.f32 v4, v3;
	(v2sf) =	vpush v6, $0xF  }
0x75: {  	_ =	sdelay $0x4  }
0x76: {  	v6, _, _ =	vpop (xrf0)  }
0x77: {  	(v2sf) =	vpush v6, $0xF;
	_ =	sdelay $0x3  }
0x78: {  	v4 =	vld [tilespmem:s17+$0x0];
	p6 =	sne.s32 s16, $0x1  }
.Ltmp11:
0x79: {  	_ = 	snop;
	(pc) =	sbr.rel @!p6 .LBB2_23-.Ltmp11, $3  }
0x7a: {  	_ =	sdelay $0x1  }
0x7b: {  	v5 =	vsel vm0, $0x1, v2  }
0x7c: {  	s16 =	sadd.s32 $0xFFFFFFFF, s16;
	s17 =	simm.s32 $0x8040;
	p4 =	por $0x1, $0x1;
	(xrf0) =	vadd.scan.msk.s32 $0xffff, v5;
	vm0 =	veq.f32 v4, v3  }
0x7d: {  	_ =	sdelay $0x4  }
0x7e: {  	v6, _, _ =	vpop (xrf0)  }
0x7f: {  	(v2sf) =	vpush v6, $0xF;
	_ =	sdelay $0x2  }
0x80: {  	v4 =	vld [tilespmem:s17+$0x0];
	p6 =	sne.s32 s16, $0x1;
	v5 =	vsel vm0, $0x1, v2  }
.Ltmp12:
0x81: {  	(xrf0) =	vadd.scan.msk.s32 $0xffff, v5;
	(pc) =	sbr.rel @!p6 .LBB2_25-.Ltmp12, $3  }
0x82: {  	_ =	sdelay $0x1  }
0x83: {  	s18 =	sadd.s32 $0xFFFFFFFF, s16;
	s19 =	simm.s32 $0x8050  }
0x84: {  	s17 =	spop (v2sf);
	p5 =	por $0x1, $0x1;
	s16 =	simm.s32 $0x0;
	vm0 =	veq.f32 v4, v3  }
.LBB2_26:
0x85: {  	v4 =	vld [tilespmem:s19+$0x0];
	p6 =	sne.s32 s18, $0x1;
	s18 =	sadd.s32 $0xFFFFFFFF, s18;
	v6 =	vsel vm0, $0x1, v2;
	s16 =	sadd.s32 s16, s17  }
.Ltmp13:
0x86: {  	(xrf0) =	vadd.scan.msk.s32 $0xffff, v6;
	v5, _, _ =	vpop (xrf0);
	(pc) =	sbr.rel @p6 .LBB2_26-.Ltmp13, $2  }
0x87: {  	(v2sf) =	vpush v5, $0xF;
	_ =	sdelay $0x3  }
0x88: {  	s19 =	sadd.s32 $0x10, s19;
	vm0 =	veq.f32 v4, v3;
	s17 =	spop (v2sf)  }
0x89: {  	_ = 	snop  }
.LBB2_28:
0x8a: {  	v3 =	vsel vm0, $0x1, v2  }
0x8b: {  	(xrf0) =	vadd.scan.msk.s32 $0xffff, v3;
	_ =	sdelay $0x2  }
0x8c: {  	v3, _, _ =	vpop @p2 (xrf0)  }
0x8d: {  	(v2sf) =	vpush @p2 v3, $0xF;
	_ =	sdelay $0x1  }
0x8e: {  	v3, _, _ =	vpop (xrf0)  }
0x8f: {  	(v2sf) =	vpush v3, $0xF;
	_ =	sdelay $0x7  }
0x90: {  	s18 =	spop @p4 (v2sf);
	s16 =	sadd.s32 @p5 s16, s17;
	s17 =	simm.s32 $0x0  }
0x91: {  	s18 =	smov.u32 @p4 s18;
	s17 =	smov.u32 @p5 s16  }
0x92: {  	s16 =	sadd.s32 @p4 s17, s18;
	s18 =	simm.s32 $0x0;
	s17 =	spop @p3 (v2sf)  }
0x93: {  	s18 =	smov.u32 @p4 s16;
	s17 =	smov.u32 @p3 s17  }
0x94: {  	s16 =	sadd.s32 @p3 s18, s17;
	s18 =	simm.s32 $0x0;
	s17 =	spop @p2 (v2sf)  }
0x95: {  	s18 =	smov.u32 @p3 s16;
	s17 =	smov.u32 @p2 s17  }
0x96: {  	s16 =	sadd.s32 @p2 s18, s17  }
0x97: {  	s15 =	smov.u32 @p2 s16;
	s31 =	spop (v2sf)  }
0x98: {  	s15 =	sadd.s32 s15, s31  }
0x99: {  	p2 =	sgt.s32 s12, s15  }
0x9a: {  	s15 =	ssub.s32 @p2 s12, s15  }
0x9b: {  	p3 =	sgt.s32 @p2 s15, $0x0  }
0x9c: {  	p3 =	por !p2, !p3  }
.Ltmp14:
0x9d: {  	_ = 	snop;
	(pc) =	sbr.rel @!p3 .LBB2_12-.Ltmp14, $4  }
.Ltmp15:
0x9e: {  	_ = 	snop;
	(pc) =	sbr.rel @p3 .LBB2_29-.Ltmp15, $4  }
0x9f: {  	_ = 	snop  }
0xa0: {  	_ = 	snop  }
0xa1: {  	_ = 	snop  }
0xa2: {  	_ = 	snop  }
.LBB2_17:
.Ltmp16:
0xa3: {  	(pc) =	sbr.rel .LBB2_28-.Ltmp16, $2  }
0xa4: {  	_ =	sdelay $0x2  }
0xa5: {  	s16 =	simm.s32 $0x0  }
.LBB2_19:
.Ltmp17:
0xa6: {  	(pc) =	sbr.rel .LBB2_28-.Ltmp17, $2  }
0xa7: {  	_ =	sdelay $0x2  }
0xa8: {  	s16 =	simm.s32 $0x0  }
.LBB2_21:
.Ltmp18:
0xa9: {  	(pc) =	sbr.rel .LBB2_28-.Ltmp18, $2  }
0xaa: {  	_ =	sdelay $0x2  }
0xab: {  	s16 =	simm.s32 $0x0  }
.LBB2_23:
.Ltmp19:
0xac: {  	(pc) =	sbr.rel .LBB2_28-.Ltmp19, $2  }
0xad: {  	_ =	sdelay $0x2  }
0xae: {  	s16 =	simm.s32 $0x0  }
.LBB2_25:
.Ltmp20:
0xaf: {  	(pc) =	sbr.rel .LBB2_28-.Ltmp20, $2  }
0xb0: {  	_ =	sdelay $0x2  }
0xb1: {  	s16 =	simm.s32 $0x0  }
.LBB2_29:
.Ltmp21:
0xb2: {  	(pc) =	sbr.rel @!p0 .LBB2_30-.Ltmp21, $3  }
0xb3: {  	_ =	sdelay $0x1  }
0xb4: {  	s12 =	simm.s32 @p2 $0x0;
	s14 =	simm.f32 @p2 $+Inf;
	s31 =	simm.s32 $0x8000  }
0xb5: {  	s11 =	simm.s32 $0x0;
	p1 =	por $0x0, $0x0;
	v3 =	vmov s14;
	v4 =	vmov s12;
	s12 =	simm.s32 $0x8880;
	v5 =	vld [tilespmem:s31+$0x0]  }
0xb6: {  	_ =	sdelay $0x3  }
0xb7: {  	vm0 =	veq.f32 v5, v3  }
0xb8: {  	v6 =	vsel vm0, $0x1, v2  }
0xb9: {  	(xrf0) =	vadd.scan.msk.s32 $0xffff, v6;
	_ =	sdelay $0x5  }
0xba: {  	v6, _, _ =	vpop (xrf0)  }
0xbb: {  	v8 =	vadd.s32 s11, v6;
	(v2sf) =	vpush v6, $0xF  }
0xbc: {  	vm1 =	vle.s32 v8, v4  }
0xbd: {  	v7 =	vld [tilespmem:s12+$0x0];
	vm2 =	vgt.f32 v5, v3;
	vm0 =	vmand vm0, vm1  }
0xbe: {  	p0 =	sne.s32 s13, $0x1;
	vm0 =	vmor vm2, vm0  }
.Ltmp22:
0xbf: {  	v5 =	vsel vm0, $0x1, v2;
	(pc) =	sbr.rel @!p0 .LBB2_32-.Ltmp22, $3  }
0xc0: {  	(xrf0) =	vadd.scan.msk.s32 $0xffff, v5;
	_ =	sdelay $0x1  }
0xc1: {  	s16 =	simm.s32 $0x8010;
	s17 =	sadd.s32 $0xFFFFFFFF, s13;
	p1 =	por $0x1, $0x1;
	[tilespmem:s11+$0x9100] =	vst.msk vm0, v7  }
0xc2: {  	s15 =	simm.s32 $0x0;
	s14 =	simm.s32 $0x8880;
	s13 =	simm.s32 $0x0;
	v5 =	vld [tilespmem:s16+$0x0]  }
.LBB2_33:
0xc3: {  	p0 =	sne.s32 s17, $0x1;
	_ =	sdelay $0x1  }
0xc4: {  	v6, _, _ =	vpop (xrf0)  }
0xc5: {  	(v2sf) =	vpush v6, $0xF  }
0xc6: {  	vm0 =	vgt.f32 v5, v3;
	vm1 =	veq.f32 v5, v3  }
0xc7: {  	v5 =	vsel vm1, $0x1, v2  }
0xc8: {  	(xrf0) =	vadd.scan.msk.s32 $0xffff, v5;
	s18 =	spop (v2sf)  }
0xc9: {  	s15 =	sadd.s32 s15, s18;
	_ =	sdelay $0x4  }
0xca: {  	v5, _, _ =	vpop (xrf0)  }
0xcb: {  	v6 =	vadd.s32 s15, v5;
	(v2sf) =	vpush v5, $0xF  }
0xcc: {  	s14 =	sadd.s32 $0x10, s14;
	vm2 =	vle.s32 v6, v4  }
0xcd: {  	v5 =	vld [tilespmem:s14+$0x0];
	vm1 =	vmand vm1, vm2  }
0xce: {  	vm0 =	vmor vm0, vm1  }
.Ltmp23:
0xcf: {  	v6 =	vsel vm0, $0x1, v2;
	(pc) =	sbr.rel @p0 .LBB2_33-.Ltmp23, $4  }
0xd0: {  	(xrf0) =	vadd.scan.msk.s32 $0xffff, v6;
	s18 =	spop (v2sf)  }
0xd1: {  	s13 =	sadd.s32 s13, s18  }
0xd2: {  	s16 =	sadd.s32 $0x10, s16;
	[tilespmem:s13+$0x9100] =	vst.msk vm0, v5  }
0xd3: {  	s17 =	sadd.s32 $0xFFFFFFFF, s17;
	v5 =	vld [tilespmem:s16+$0x0]  }
.LBB2_34:
0xd4: {  	_ =	sdelay $0x3  }
0xd5: {  	vm0 =	veq.f32 v5, v3  }
0xd6: {  	v6 =	vsel vm0, $0x1, v2  }
0xd7: {  	(xrf0) =	vadd.scan.msk.s32 $0xffff, v6;
	_ =	sdelay $0x3  }
0xd8: {  	s16 =	spop @p1 (v2sf)  }
0xd9: {  	s15 =	sadd.s32 @p1 s15, s16;
	s16 =	simm.s32 $0x0;
	v6, _, _ =	vpop @p1 (xrf0)  }
0xda: {  	s16 =	smov.u32 @p1 s15;
	v7, _, _ =	vpop (xrf0)  }
0xdb: {  	v8 =	vadd.s32 s16, v7  }
0xdc: {  	vm1 =	vle.s32 v8, v4  }
0xdd: {  	vm2 =	vgt.f32 v5, v3;
	vm0 =	vmand vm0, vm1  }
0xde: {  	vm0 =	vmor vm2, vm0  }
0xdf: {  	v3 =	vsel vm0, $0x1, v2  }
0xe0: {  	(xrf0) =	vadd.scan.msk.s32 $0xffff, v3  }
0xe1: {  	(v2sf) =	vpush @p1 v6, $0xF;
	_ =	sdelay $0x4  }
0xe2: {  	(v2sf) =	vpush v7, $0xF;
	v3, _, _ =	vpop (xrf0)  }
0xe3: {  	(v2sf) =	vpush v3, $0xF;
	_ =	sdelay $0x4  }
0xe4: {  	s14 =	sadd.s32 @p1 $0x10, s14  }
0xe5: {  	s12 =	smov.u32 @p1 s14  }
0xe6: {  	v3 =	vld [tilespmem:s12+$0x0];
	_ =	sdelay $0x1  }
0xe7: {  	s12 =	spop @p1 (v2sf)  }
0xe8: {  	s12 =	sadd.s32 @p1 s13, s12  }
0xe9: {  	s10 =	sadd.s32 $0x1, s10;
	s11 =	smov.u32 @p1 s12  }
0xea: {  	p0 =	sne.s32 s10, s5;
	[tilespmem:s11+$0x9100] =	vst.msk vm0, v3  }
0xeb: {  	[hbm4b:s4+s2] =	stream.linear.scatter [tilespmem:s9], [sflag:$0x1], $0x40, $0x38;
	[tilespmem:$0x9180] =	vst v63  }
.Ltmp24:
0xec: {  	s30 =	spop (v2sf);
	(pc) =	sbr.rel @p0 .LBB2_1-.Ltmp24, $4  }
.Ltmp25:
0xed: {  	s31 =	spop (v2sf);
	(pc) =	sbr.rel @!p0 .LBB2_35-.Ltmp25, $4  }
0xee: {  	_ =	swait.ge [sflag:s8], $0x40  }
0xef: {  	[sflag:s8] =	ssyncset.done $0x0  }
0xf0: {  	[sflag:s8] =	ssyncadd.s32 $0xFFFFFFC0  }
0xf1: {  	_ = 	snop  }
.LBB2_2:
.Ltmp26:
0xf2: {  	(pc) =	sbr.rel .LBB2_7-.Ltmp26, $3  }
0xf3: {  	_ =	sdelay $0x1  }
0xf4: {  	v6 =	vimm.f32 $-Inf  }
0xf5: {  	v7 =	vimm.f32 $-Inf;
	v8 =	vimm.f32 $-Inf;
	v5 =	vimm.f32 $-Inf  }
.LBB2_4:
.Ltmp27:
0xf6: {  	(pc) =	sbr.rel .LBB2_7-.Ltmp27, $2  }
0xf7: {  	_ =	sdelay $0x2  }
0xf8: {  	v9 =	vmov v10;
	v7 =	vimm.f32 $-Inf;
	v8 =	vimm.f32 $-Inf  }
.LBB2_30:
.Ltmp28:
0xf9: {  	(pc) =	sbr.rel .LBB2_34-.Ltmp28, $2  }
0xfa: {  	_ =	sdelay $0x2  }
0xfb: {  	s15 =	simm.s32 $0x0;
	s14 =	simm.s32 $0x8880;
	s13 =	simm.s32 $0x0  }
.LBB2_32:
.Ltmp29:
0xfc: {  	(pc) =	sbr.rel .LBB2_34-.Ltmp29, $2  }
0xfd: {  	_ =	sdelay $0x2  }
0xfe: {  	s15 =	simm.s32 $0x0;
	s14 =	simm.s32 $0x8880;
	s13 =	simm.s32 $0x0  }
.LBB2_13:
.Ltmp30:
0xff: {  	(pc) =	sbr.rel .LBB2_13-.Ltmp30, $1  }
0x100: {  	_ =	sdelay $0x3  }
.LBB2_35:
0x101: {  	_ =	sfence.sel $0x180000  }
0x102: {  	[bflag:$0x0] =	sbarrier.arrive $0xFFFF  }
0x103: {  	p0 =	sne.s32 s0, $0x0;
	_ =	strace $0x90000047  }
0x104: {  	s0 =	sadd.s32 @!p0 $0x100000, s1;
	[bflag:$0x2] =	sbarrier.arrive $0xFFFF  }
0x105: {  	[sflag:s0] =	ssyncadd.tile.s32 @!p0 $0x1;
	_ =	shalt  }
.Lfunc_end2:
_tile_overlayer_lowered:
.L_overlay_start_2:
0x106: {  	(tag) =	ssettag $0x2  }
0x107: {  	s0 =	rddreg [dreg:$0x0];
	s2 =	stileid.u32  }
0x108: {  	s1 =	rddreg [dreg:$0x1];
	p0 =	sne.s32 s2, $0x0  }
0x109: {  	s3 =	rddreg [dreg:$0x2];
	[bflag:$0x3] =	sbarrier.arrive $0xFFFF;
	s2 =	simm.s32 @!p0 $0x1C01  }
0x10a: {  	[timem:s3], [sflag:s2] =	dma.local @!p0 [hbm:s0], s1  }
0x10b: {  	s0 =	simm.s32 @!p0 $0x1  }
0x10c: {  	_ =	swait.ge @!p0 [sflag:s0], s1  }
0x10d: {  	s1 =	ssub.s32 @!p0 $0x0, s1;
	[sflag:s0] =	ssyncset.done @!p0 $0x0  }
0x10e: {  	[sflag:s0] =	ssyncadd.s32 @!p0 s1  }
0x10f: {  	[bflag:$0x3] =	sbarrier.arrive $0xFFFF  }
0x110: {  	_ =	shalt  }

</sc_bundles>
